<compile_context>
chip_gen: v7x
topology: tpu7x:2x2x1
jax: 0.10.2.dev20260603
libtpu: 0.0.44.dev20260713+nightly
codegen_flags: <defaults>
</compile_context>

<pallas_src>
import jax
import jax.numpy as jnp
from jax.experimental import pallas as pl

_PN = (1, 2, 4, 8, 16)
_BETA = 0.25
_HI = jax.lax.Precision.HIGHEST
_DEF = jax.lax.Precision.DEFAULT


def _conv_body(x_ref, w_ref, b_ref, o_ref):
    x = x_ref[...]
    c, n = x.shape
    pos = jax.lax.broadcasted_iota(jnp.int32, (1, n), 1)
    w_iota = pos % 16
    h_iota = (pos // 16) % 16

    def shifted(v, dy, dx):
        d = dy * 16 + dx
        if d > 0:
            y = jnp.concatenate([v[:, d:], jnp.zeros((c, d), v.dtype)], axis=1)
        elif d < 0:
            y = jnp.concatenate([jnp.zeros((c, -d), v.dtype), v[:, :d]], axis=1)
        else:
            y = v
        ok = None
        if dx != 0:
            ok = (w_iota + dx >= 0) & (w_iota + dx <= 15)
        if dy != 0:
            ok_r = (h_iota + dy >= 0) & (h_iota + dy <= 15)
            ok = ok_r if ok is None else (ok & ok_r)
        if ok is not None:
            y = jnp.where(ok, y, jnp.float32(0.0))
        return y

    shifts = [shifted(x, ky - 1, kx - 1) for ky in range(3) for kx in range(3)]
    stacked = jnp.concatenate(shifts, axis=0)
    o_ref[...] = jnp.dot(w_ref[...], stacked, precision=_DEF,
                         preferred_element_type=jnp.float32) + b_ref[...]


def _run_conv(x, wcat, bias):
    B, C, HW = x.shape
    xf = jnp.transpose(x, (1, 0, 2)).reshape(C, B * HW)
    out = pl.pallas_call(
        _conv_body,
        grid=(1,),
        in_specs=[pl.BlockSpec((C, B * HW), lambda b: (0, 0)),
                  pl.BlockSpec((C, 9 * C), lambda b: (0, 0)),
                  pl.BlockSpec((C, 1), lambda b: (0, 0))],
        out_specs=pl.BlockSpec((C, B * HW), lambda b: (0, 0)),
        out_shape=jax.ShapeDtypeStruct((C, B * HW), jnp.float32),
    )(xf, wcat, bias)
    return jnp.transpose(out.reshape(C, B, HW), (1, 0, 2))


def kernel(z, codebook, phi_w, phi_b):
    B, C, H, W = z.shape
    HW = H * W
    sn = len(_PN)
    cb = codebook
    wcat = jnp.transpose(phi_w, (0, 1, 3, 4, 2)).reshape(sn, C, 9 * C)

    f_hat = jnp.zeros((B, C, H, W), jnp.float32)
    f_rest = z
    ms_idx = []
    vq_loss = 0.0
    for i, pn in enumerate(_PN):
        if i < sn - 1:
            fh, fw = H // pn, W // pn
            z_s = f_rest.reshape(B, C, pn, fh, pn, fw).mean(axis=(3, 5))
        else:
            z_s = f_rest
        zf = jnp.transpose(z_s, (0, 2, 3, 1)).reshape(-1, C)
        dist = (jnp.sum(zf * zf, axis=1, keepdims=True)
                - 2.0 * (zf @ cb.T)
                + jnp.sum(cb * cb, axis=1)[None, :])
        idx = jnp.argmin(dist, axis=1)
        zq = jnp.take(cb, idx, axis=0).reshape(B, pn, pn, C).transpose(0, 3, 1, 2)
        loss_i = (_BETA * jnp.mean((z_s - jax.lax.stop_gradient(zq)) ** 2)
                  + jnp.mean((jax.lax.stop_gradient(z_s) - zq) ** 2))
        ms_idx.append(idx.reshape(B, pn, pn))
        vq_loss = vq_loss + loss_i
        zq_st = z_s + jax.lax.stop_gradient(zq - z_s)
        if i < sn - 1:
            x = jax.image.resize(zq_st, (B, C, H, W), method='cubic')
        else:
            x = zq_st
        conv = _run_conv(x.reshape(B, C, HW), wcat[i],
                         phi_b[i][:, None]).reshape(B, C, H, W)
        z_q = x * 0.5 + conv * 0.5
        f_hat = f_hat + z_q
        f_rest = f_rest - z_q
    vq_loss = vq_loss / sn
    return (f_hat, tuple(ms_idx), vq_loss)

# --- scband reference (transcript-rebuilt; emitter-appended) ---
"""Pipeline reference for scband-multi-scale-quantizer-84421877170528 (READ-ONLY COPY).

The authoritative reference and input builder live on the scoring server;
editing this copy changes nothing except your own understanding.
"""

import jax
import jax.numpy as jnp
import numpy as np

PATCH_NUMS = (1, 2, 4, 8, 16)
VOCAB = 4096
EMBED_DIM = 32
BETA = 0.25
RESI_RATIO = 0.5
N_PHI = 5


def _conv3x3(x, w, b):
    y = jax.lax.conv_general_dilated(x, w, window_strides=(1, 1), padding=((1, 1), (1, 1)), dimension_numbers=('NCHW', 'OIHW', 'NCHW'))
    return y + b[None, :, None, None]


def _phi(h, w, b):
    # Phi: h * (1 - resi_ratio) + conv3x3(h) * resi_ratio
    return h * (1.0 - RESI_RATIO) + _conv3x3(h, w, b) * RESI_RATIO


def _area_down(x, pn):
    # F.interpolate(mode='area') for integer downscale factors == average pooling
    B, C, H, W = x.shape
    fh, fw = H // pn, W // pn
    return x.reshape(B, C, pn, fh, pn, fw).mean(axis=(3, 5))


def _bicubic_up(x, H, W):
    return jax.image.resize(x, (x.shape[0], x.shape[1], H, W), method='cubic')


def _vq(z, codebook):
    # standard VectorQuantizer (using_znorm=False): nearest codeword by L2, straight-through estimator
    B, C, h, w = z.shape
    zf = jnp.transpose(z, (0, 2, 3, 1)).reshape(-1, C)
    dist = jnp.sum(zf * zf, axis=1, keepdims=True) - 2.0 * (zf @ codebook.T) + jnp.sum(codebook * codebook, axis=1)[None, :]
    idx = jnp.argmin(dist, axis=1)
    zq = jnp.take(codebook, idx, axis=0).reshape(B, h, w, C).transpose(0, 3, 1, 2)
    loss = BETA * jnp.mean((z - jax.lax.stop_gradient(zq)) ** 2) + jnp.mean((jax.lax.stop_gradient(z) - zq) ** 2)
    zq_st = z + jax.lax.stop_gradient(zq - z)
    return zq_st, idx.reshape(B, h, w), loss


def setup_inputs(seed: int = 0) -> dict:
    key = jax.random.key(seed)
    ks = jax.random.split(key, 4)
    z = jax.random.normal(ks[0], (32, EMBED_DIM, 16, 16), dtype=jnp.float32)
    codebook = jax.random.normal(ks[1], (VOCAB, EMBED_DIM), dtype=jnp.float32) * 0.5
    phi_w = jax.random.normal(ks[2], (N_PHI, EMBED_DIM, EMBED_DIM, 3, 3), dtype=jnp.float32) * 0.05
    phi_b = jnp.zeros((N_PHI, EMBED_DIM), dtype=jnp.float32)
    return {"z": z, "codebook": codebook, "phi_w": phi_w, "phi_b": phi_b}


def reference(z, codebook, phi_w, phi_b):
    # MultiScaleQuantizer.forward
    B, C, H, W = z.shape
    sn = len(PATCH_NUMS)
    f_rest = z
    f_hat = jnp.zeros_like(z)
    ms_idx = []
    vq_loss = 0.0
    for i, pn in enumerate(PATCH_NUMS):
        z_scale = _area_down(f_rest, pn) if i < sn - 1 else f_rest
        zq_st, idx, loss_i = _vq(z_scale, codebook)
        z_q = _bicubic_up(zq_st, H, W) if i < sn - 1 else zq_st
        # share_quant_resi=5 with sn=5 -> ticks [0.1,0.3,0.5,0.7,0.9], ratio si/4 maps to phi index si
        z_q = _phi(z_q, phi_w[i], phi_b[i])
        f_hat = f_hat + z_q
        f_rest = f_rest - z_q
        ms_idx.append(idx)
        vq_loss = vq_loss + loss_i
    vq_loss = vq_loss / sn
    return (f_hat, tuple(ms_idx), vq_loss)

if __name__ == "__main__":
    import jax
    _d = setup_inputs()
    print(jax.jit(kernel)(*tuple(_d.values())))

</pallas_src>

<mosaic_0001>
module attributes {stable_mosaic.version = 14 : i64} {
  func.func @_conv_body(%arg0: i32, %arg1: memref<32x8192xf32, #tpu.memory_space<vmem>>, %arg2: memref<32x288xf32, #tpu.memory_space<vmem>>, %arg3: memref<32x1xf32, #tpu.memory_space<vmem>>, %arg4: memref<32x8192xf32, #tpu.memory_space<vmem>>) attributes {dimension_semantics = [#tpu.dimension_semantics<arbitrary>], iteration_bounds = array<i64: 1>, scalar_prefetch = 0 : i64, scratch_operands = 0 : i64, tpu.core_type = #tpu.core_type<tc>, window_params = [{pipeline_mode = #tpu.pipeline_mode<synchronous>, transform_indices = @transform_0, window_bounds = array<i64: 32, 8192>}, {pipeline_mode = #tpu.pipeline_mode<synchronous>, transform_indices = @transform_1, window_bounds = array<i64: 32, 288>}, {pipeline_mode = #tpu.pipeline_mode<synchronous>, transform_indices = @transform_2, window_bounds = array<i64: 32, 1>}, {pipeline_mode = #tpu.pipeline_mode<synchronous>, transform_indices = @transform_3, window_bounds = array<i64: 32, 8192>}]} {
    %get3A = arith.constant 0 : index
    %get3A_0 = arith.constant 0 : index
    %get3A_1 = vector.load %arg1[%get3A, %get3A_0] : memref<32x8192xf32, #tpu.memory_space<vmem>>, vector<32x8192xf32>
    %iota3A = tpu.iota {dimensions = array<i32: 1>} : vector<1x8192xi32>
    %jit3A = arith.constant 16 : i32
    %eq3A = arith.constant 0 : i32
    %eq3A_2 = arith.cmpi eq, %jit3A, %eq3A : i32
    %jit3A_3 = arith.constant 1 : i32
    %select_n3A = arith.select %eq3A_2, %jit3A_3, %jit3A : i32
    %rem3A = vector.broadcast %select_n3A : i32 to vector<1x8192xi32>
    %rem3A_4 = arith.remsi %iota3A, %rem3A : vector<1x8192xi32>
    %ne3A = arith.constant 0 : i32
    %ne3A_5 = vector.broadcast %ne3A : i32 to vector<1x8192xi32>
    %ne3A_6 = arith.cmpi ne, %rem3A_4, %ne3A_5 : vector<1x8192xi32>
    %lt3A = arith.constant 0 : i32
    %lt3A_7 = vector.broadcast %lt3A : i32 to vector<1x8192xi32>
    %lt3A_8 = arith.cmpi slt, %rem3A_4, %lt3A_7 : vector<1x8192xi32>
    %lt3A_9 = arith.constant 0 : i32
    %lt3A_10 = arith.cmpi slt, %select_n3A, %lt3A_9 : i32
    %ne3A_11 = vector.broadcast %lt3A_10 : i1 to vector<1x8192xi1>
    %ne3A_12 = vector.broadcast %ne3A_11 : vector<1x8192xi1> to vector<1x8192xi1>
    %ne3A_13 = arith.xori %lt3A_8, %ne3A_12 : vector<1x8192xi1>
    %and3A = arith.andi %ne3A_13, %ne3A_6 : vector<1x8192xi1>
    %add3A = vector.broadcast %select_n3A : i32 to vector<1x8192xi32>
    %add3A_14 = arith.addi %rem3A_4, %add3A : vector<1x8192xi32>
    %select_n3A_15 = arith.select %and3A, %add3A_14, %rem3A_4 : vector<1x8192xi1>, vector<1x8192xi32>
    %jit3A_16 = arith.constant 16 : i32
    %div3A = vector.broadcast %jit3A_16 : i32 to vector<1x8192xi32>
    %div3A_17 = arith.divsi %iota3A, %div3A : vector<1x8192xi32>
    %sign3A = arith.constant 0 : i32
    %sign3A_18 = vector.broadcast %sign3A : i32 to vector<1x8192xi32>
    %sign3A_19 = arith.cmpi sgt, %iota3A, %sign3A_18 : vector<1x8192xi32>
    %sign3A_20 = arith.extui %sign3A_19 : vector<1x8192xi1> to vector<1x8192xi32>
    %sign3A_21 = arith.constant 0 : i32
    %sign3A_22 = vector.broadcast %sign3A_21 : i32 to vector<1x8192xi32>
    %sign3A_23 = arith.cmpi slt, %iota3A, %sign3A_22 : vector<1x8192xi32>
    %sign3A_24 = arith.extui %sign3A_23 : vector<1x8192xi1> to vector<1x8192xi32>
    %sign3A_25 = arith.subi %sign3A_20, %sign3A_24 : vector<1x8192xi32>
    %sign3A_26 = arith.constant 0 : i32
    %sign3A_27 = arith.cmpi sgt, %jit3A_16, %sign3A_26 : i32
    %sign3A_28 = arith.extui %sign3A_27 : i1 to i32
    %sign3A_29 = arith.constant 0 : i32
    %sign3A_30 = arith.cmpi slt, %jit3A_16, %sign3A_29 : i32
    %sign3A_31 = arith.extui %sign3A_30 : i1 to i32
    %sign3A_32 = arith.subi %sign3A_28, %sign3A_31 : i32
    %ne3A_33 = vector.broadcast %sign3A_32 : i32 to vector<1x8192xi32>
    %ne3A_34 = arith.cmpi ne, %sign3A_25, %ne3A_33 : vector<1x8192xi32>
    %rem3A_35 = vector.broadcast %jit3A_16 : i32 to vector<1x8192xi32>
    %rem3A_36 = arith.remsi %iota3A, %rem3A_35 : vector<1x8192xi32>
    %ne3A_37 = arith.constant 0 : i32
    %ne3A_38 = vector.broadcast %ne3A_37 : i32 to vector<1x8192xi32>
    %ne3A_39 = arith.cmpi ne, %rem3A_36, %ne3A_38 : vector<1x8192xi32>
    %and3A_40 = arith.andi %ne3A_34, %ne3A_39 : vector<1x8192xi1>
    %sub3A = arith.constant 1 : i32
    %sub3A_41 = vector.broadcast %sub3A : i32 to vector<1x8192xi32>
    %sub3A_42 = arith.subi %div3A_17, %sub3A_41 : vector<1x8192xi32>
    %select_n3A_43 = arith.select %and3A_40, %sub3A_42, %div3A_17 : vector<1x8192xi1>, vector<1x8192xi32>
    %jit3A_44 = arith.constant 16 : i32
    %eq3A_45 = arith.constant 0 : i32
    %eq3A_46 = arith.cmpi eq, %jit3A_44, %eq3A_45 : i32
    %jit3A_47 = arith.constant 1 : i32
    %select_n3A_48 = arith.select %eq3A_46, %jit3A_47, %jit3A_44 : i32
    %rem3A_49 = vector.broadcast %select_n3A_48 : i32 to vector<1x8192xi32>
    %rem3A_50 = arith.remsi %select_n3A_43, %rem3A_49 : vector<1x8192xi32>
    %ne3A_51 = arith.constant 0 : i32
    %ne3A_52 = vector.broadcast %ne3A_51 : i32 to vector<1x8192xi32>
    %ne3A_53 = arith.cmpi ne, %rem3A_50, %ne3A_52 : vector<1x8192xi32>
    %lt3A_54 = arith.constant 0 : i32
    %lt3A_55 = vector.broadcast %lt3A_54 : i32 to vector<1x8192xi32>
    %lt3A_56 = arith.cmpi slt, %rem3A_50, %lt3A_55 : vector<1x8192xi32>
    %lt3A_57 = arith.constant 0 : i32
    %lt3A_58 = arith.cmpi slt, %select_n3A_48, %lt3A_57 : i32
    %ne3A_59 = vector.broadcast %lt3A_58 : i1 to vector<1x8192xi1>
    %ne3A_60 = vector.broadcast %ne3A_59 : vector<1x8192xi1> to vector<1x8192xi1>
    %ne3A_61 = arith.xori %lt3A_56, %ne3A_60 : vector<1x8192xi1>
    %and3A_62 = arith.andi %ne3A_61, %ne3A_53 : vector<1x8192xi1>
    %add3A_63 = vector.broadcast %select_n3A_48 : i32 to vector<1x8192xi32>
    %add3A_64 = arith.addi %rem3A_50, %add3A_63 : vector<1x8192xi32>
    %select_n3A_65 = arith.select %and3A_62, %add3A_64, %rem3A_50 : vector<1x8192xi1>, vector<1x8192xi32>
    %broadcast_in_dim3A = arith.constant 0.000000e+00 : f32
    %broadcast_in_dim3A_66 = vector.broadcast %broadcast_in_dim3A : f32 to vector<32x17xf32>
    %slice3A = vector.extract_strided_slice %get3A_1 {offsets = [0, 0], sizes = [32, 8175], strides = [1, 1]} : vector<32x8192xf32> to vector<32x8175xf32>
    %concatenate3A = tpu.concatenate %broadcast_in_dim3A_66, %slice3A in 1 : vector<32x17xf32>, vector<32x8175xf32> -> vector<32x8192xf32>
    %add3A_67 = arith.constant -1 : i32
    %add3A_68 = vector.broadcast %add3A_67 : i32 to vector<1x8192xi32>
    %add3A_69 = arith.addi %select_n3A_15, %add3A_68 : vector<1x8192xi32>
    %ge3A = arith.constant 0 : i32
    %ge3A_70 = vector.broadcast %ge3A : i32 to vector<1x8192xi32>
    %ge3A_71 = arith.cmpi sge, %add3A_69, %ge3A_70 : vector<1x8192xi32>
    %add3A_72 = arith.constant -1 : i32
    %add3A_73 = vector.broadcast %add3A_72 : i32 to vector<1x8192xi32>
    %add3A_74 = arith.addi %select_n3A_15, %add3A_73 : vector<1x8192xi32>
    %le3A = arith.constant 15 : i32
    %le3A_75 = vector.broadcast %le3A : i32 to vector<1x8192xi32>
    %le3A_76 = arith.cmpi sle, %add3A_74, %le3A_75 : vector<1x8192xi32>
    %and3A_77 = arith.andi %ge3A_71, %le3A_76 : vector<1x8192xi1>
    %add3A_78 = arith.constant -1 : i32
    %add3A_79 = vector.broadcast %add3A_78 : i32 to vector<1x8192xi32>
    %add3A_80 = arith.addi %select_n3A_65, %add3A_79 : vector<1x8192xi32>
    %ge3A_81 = arith.constant 0 : i32
    %ge3A_82 = vector.broadcast %ge3A_81 : i32 to vector<1x8192xi32>
    %ge3A_83 = arith.cmpi sge, %add3A_80, %ge3A_82 : vector<1x8192xi32>
    %add3A_84 = arith.constant -1 : i32
    %add3A_85 = vector.broadcast %add3A_84 : i32 to vector<1x8192xi32>
    %add3A_86 = arith.addi %select_n3A_65, %add3A_85 : vector<1x8192xi32>
    %le3A_87 = arith.constant 15 : i32
    %le3A_88 = vector.broadcast %le3A_87 : i32 to vector<1x8192xi32>
    %le3A_89 = arith.cmpi sle, %add3A_86, %le3A_88 : vector<1x8192xi32>
    %and3A_90 = arith.andi %ge3A_83, %le3A_89 : vector<1x8192xi1>
    %and3A_91 = arith.andi %and3A_77, %and3A_90 : vector<1x8192xi1>
    %jit3A_92 = arith.constant 0.000000e+00 : f32
    %broadcast_in_dim3A_93 = vector.shape_cast %and3A_91 : vector<1x8192xi1> to vector<1x8192xi1>
    %broadcast_in_dim3A_94 = vector.broadcast %broadcast_in_dim3A_93 : vector<1x8192xi1> to vector<32x8192xi1>
    %broadcast_in_dim3A_95 = vector.broadcast %jit3A_92 : f32 to vector<32x8192xf32>
    %select_n3A_96 = arith.select %broadcast_in_dim3A_94, %concatenate3A, %broadcast_in_dim3A_95 : vector<32x8192xi1>, vector<32x8192xf32>
    %broadcast_in_dim3A_97 = arith.constant 0.000000e+00 : f32
    %broadcast_in_dim3A_98 = vector.broadcast %broadcast_in_dim3A_97 : f32 to vector<32x16xf32>
    %slice3A_99 = vector.extract_strided_slice %get3A_1 {offsets = [0, 0], sizes = [32, 8176], strides = [1, 1]} : vector<32x8192xf32> to vector<32x8176xf32>
    %concatenate3A_100 = tpu.concatenate %broadcast_in_dim3A_98, %slice3A_99 in 1 : vector<32x16xf32>, vector<32x8176xf32> -> vector<32x8192xf32>
    %add3A_101 = arith.constant -1 : i32
    %add3A_102 = vector.broadcast %add3A_101 : i32 to vector<1x8192xi32>
    %add3A_103 = arith.addi %select_n3A_65, %add3A_102 : vector<1x8192xi32>
    %ge3A_104 = arith.constant 0 : i32
    %ge3A_105 = vector.broadcast %ge3A_104 : i32 to vector<1x8192xi32>
    %ge3A_106 = arith.cmpi sge, %add3A_103, %ge3A_105 : vector<1x8192xi32>
    %add3A_107 = arith.constant -1 : i32
    %add3A_108 = vector.broadcast %add3A_107 : i32 to vector<1x8192xi32>
    %add3A_109 = arith.addi %select_n3A_65, %add3A_108 : vector<1x8192xi32>
    %le3A_110 = arith.constant 15 : i32
    %le3A_111 = vector.broadcast %le3A_110 : i32 to vector<1x8192xi32>
    %le3A_112 = arith.cmpi sle, %add3A_109, %le3A_111 : vector<1x8192xi32>
    %and3A_113 = arith.andi %ge3A_106, %le3A_112 : vector<1x8192xi1>
    %jit3A_114 = arith.constant 0.000000e+00 : f32
    %broadcast_in_dim3A_115 = vector.shape_cast %and3A_113 : vector<1x8192xi1> to vector<1x8192xi1>
    %broadcast_in_dim3A_116 = vector.broadcast %broadcast_in_dim3A_115 : vector<1x8192xi1> to vector<32x8192xi1>
    %broadcast_in_dim3A_117 = vector.broadcast %jit3A_114 : f32 to vector<32x8192xf32>
    %select_n3A_118 = arith.select %broadcast_in_dim3A_116, %concatenate3A_100, %broadcast_in_dim3A_117 : vector<32x8192xi1>, vector<32x8192xf32>
    %broadcast_in_dim3A_119 = arith.constant 0.000000e+00 : f32
    %broadcast_in_dim3A_120 = vector.broadcast %broadcast_in_dim3A_119 : f32 to vector<32x15xf32>
    %slice3A_121 = vector.extract_strided_slice %get3A_1 {offsets = [0, 0], sizes = [32, 8177], strides = [1, 1]} : vector<32x8192xf32> to vector<32x8177xf32>
    %concatenate3A_122 = tpu.concatenate %broadcast_in_dim3A_120, %slice3A_121 in 1 : vector<32x15xf32>, vector<32x8177xf32> -> vector<32x8192xf32>
    %add3A_123 = arith.constant 1 : i32
    %add3A_124 = vector.broadcast %add3A_123 : i32 to vector<1x8192xi32>
    %add3A_125 = arith.addi %select_n3A_15, %add3A_124 : vector<1x8192xi32>
    %ge3A_126 = arith.constant 0 : i32
    %ge3A_127 = vector.broadcast %ge3A_126 : i32 to vector<1x8192xi32>
    %ge3A_128 = arith.cmpi sge, %add3A_125, %ge3A_127 : vector<1x8192xi32>
    %add3A_129 = arith.constant 1 : i32
    %add3A_130 = vector.broadcast %add3A_129 : i32 to vector<1x8192xi32>
    %add3A_131 = arith.addi %select_n3A_15, %add3A_130 : vector<1x8192xi32>
    %le3A_132 = arith.constant 15 : i32
    %le3A_133 = vector.broadcast %le3A_132 : i32 to vector<1x8192xi32>
    %le3A_134 = arith.cmpi sle, %add3A_131, %le3A_133 : vector<1x8192xi32>
    %and3A_135 = arith.andi %ge3A_128, %le3A_134 : vector<1x8192xi1>
    %add3A_136 = arith.constant -1 : i32
    %add3A_137 = vector.broadcast %add3A_136 : i32 to vector<1x8192xi32>
    %add3A_138 = arith.addi %select_n3A_65, %add3A_137 : vector<1x8192xi32>
    %ge3A_139 = arith.constant 0 : i32
    %ge3A_140 = vector.broadcast %ge3A_139 : i32 to vector<1x8192xi32>
    %ge3A_141 = arith.cmpi sge, %add3A_138, %ge3A_140 : vector<1x8192xi32>
    %add3A_142 = arith.constant -1 : i32
    %add3A_143 = vector.broadcast %add3A_142 : i32 to vector<1x8192xi32>
    %add3A_144 = arith.addi %select_n3A_65, %add3A_143 : vector<1x8192xi32>
    %le3A_145 = arith.constant 15 : i32
    %le3A_146 = vector.broadcast %le3A_145 : i32 to vector<1x8192xi32>
    %le3A_147 = arith.cmpi sle, %add3A_144, %le3A_146 : vector<1x8192xi32>
    %and3A_148 = arith.andi %ge3A_141, %le3A_147 : vector<1x8192xi1>
    %and3A_149 = arith.andi %and3A_135, %and3A_148 : vector<1x8192xi1>
    %jit3A_150 = arith.constant 0.000000e+00 : f32
    %broadcast_in_dim3A_151 = vector.shape_cast %and3A_149 : vector<1x8192xi1> to vector<1x8192xi1>
    %broadcast_in_dim3A_152 = vector.broadcast %broadcast_in_dim3A_151 : vector<1x8192xi1> to vector<32x8192xi1>
    %broadcast_in_dim3A_153 = vector.broadcast %jit3A_150 : f32 to vector<32x8192xf32>
    %select_n3A_154 = arith.select %broadcast_in_dim3A_152, %concatenate3A_122, %broadcast_in_dim3A_153 : vector<32x8192xi1>, vector<32x8192xf32>
    %broadcast_in_dim3A_155 = arith.constant 0.000000e+00 : f32
    %broadcast_in_dim3A_156 = vector.broadcast %broadcast_in_dim3A_155 : f32 to vector<32x1xf32>
    %slice3A_157 = vector.extract_strided_slice %get3A_1 {offsets = [0, 0], sizes = [32, 8191], strides = [1, 1]} : vector<32x8192xf32> to vector<32x8191xf32>
    %concatenate3A_158 = tpu.concatenate %broadcast_in_dim3A_156, %slice3A_157 in 1 : vector<32x1xf32>, vector<32x8191xf32> -> vector<32x8192xf32>
    %add3A_159 = arith.constant -1 : i32
    %add3A_160 = vector.broadcast %add3A_159 : i32 to vector<1x8192xi32>
    %add3A_161 = arith.addi %select_n3A_15, %add3A_160 : vector<1x8192xi32>
    %ge3A_162 = arith.constant 0 : i32
    %ge3A_163 = vector.broadcast %ge3A_162 : i32 to vector<1x8192xi32>
    %ge3A_164 = arith.cmpi sge, %add3A_161, %ge3A_163 : vector<1x8192xi32>
    %add3A_165 = arith.constant -1 : i32
    %add3A_166 = vector.broadcast %add3A_165 : i32 to vector<1x8192xi32>
    %add3A_167 = arith.addi %select_n3A_15, %add3A_166 : vector<1x8192xi32>
    %le3A_168 = arith.constant 15 : i32
    %le3A_169 = vector.broadcast %le3A_168 : i32 to vector<1x8192xi32>
    %le3A_170 = arith.cmpi sle, %add3A_167, %le3A_169 : vector<1x8192xi32>
    %and3A_171 = arith.andi %ge3A_164, %le3A_170 : vector<1x8192xi1>
    %jit3A_172 = arith.constant 0.000000e+00 : f32
    %broadcast_in_dim3A_173 = vector.shape_cast %and3A_171 : vector<1x8192xi1> to vector<1x8192xi1>
    %broadcast_in_dim3A_174 = vector.broadcast %broadcast_in_dim3A_173 : vector<1x8192xi1> to vector<32x8192xi1>
    %broadcast_in_dim3A_175 = vector.broadcast %jit3A_172 : f32 to vector<32x8192xf32>
    %select_n3A_176 = arith.select %broadcast_in_dim3A_174, %concatenate3A_158, %broadcast_in_dim3A_175 : vector<32x8192xi1>, vector<32x8192xf32>
    %slice3A_177 = vector.extract_strided_slice %get3A_1 {offsets = [0, 1], sizes = [32, 8191], strides = [1, 1]} : vector<32x8192xf32> to vector<32x8191xf32>
    %broadcast_in_dim3A_178 = arith.constant 0.000000e+00 : f32
    %broadcast_in_dim3A_179 = vector.broadcast %broadcast_in_dim3A_178 : f32 to vector<32x1xf32>
    %concatenate3A_180 = tpu.concatenate %slice3A_177, %broadcast_in_dim3A_179 in 1 : vector<32x8191xf32>, vector<32x1xf32> -> vector<32x8192xf32>
    %add3A_181 = arith.constant 1 : i32
    %add3A_182 = vector.broadcast %add3A_181 : i32 to vector<1x8192xi32>
    %add3A_183 = arith.addi %select_n3A_15, %add3A_182 : vector<1x8192xi32>
    %ge3A_184 = arith.constant 0 : i32
    %ge3A_185 = vector.broadcast %ge3A_184 : i32 to vector<1x8192xi32>
    %ge3A_186 = arith.cmpi sge, %add3A_183, %ge3A_185 : vector<1x8192xi32>
    %add3A_187 = arith.constant 1 : i32
    %add3A_188 = vector.broadcast %add3A_187 : i32 to vector<1x8192xi32>
    %add3A_189 = arith.addi %select_n3A_15, %add3A_188 : vector<1x8192xi32>
    %le3A_190 = arith.constant 15 : i32
    %le3A_191 = vector.broadcast %le3A_190 : i32 to vector<1x8192xi32>
    %le3A_192 = arith.cmpi sle, %add3A_189, %le3A_191 : vector<1x8192xi32>
    %and3A_193 = arith.andi %ge3A_186, %le3A_192 : vector<1x8192xi1>
    %jit3A_194 = arith.constant 0.000000e+00 : f32
    %broadcast_in_dim3A_195 = vector.shape_cast %and3A_193 : vector<1x8192xi1> to vector<1x8192xi1>
    %broadcast_in_dim3A_196 = vector.broadcast %broadcast_in_dim3A_195 : vector<1x8192xi1> to vector<32x8192xi1>
    %broadcast_in_dim3A_197 = vector.broadcast %jit3A_194 : f32 to vector<32x8192xf32>
    %select_n3A_198 = arith.select %broadcast_in_dim3A_196, %concatenate3A_180, %broadcast_in_dim3A_197 : vector<32x8192xi1>, vector<32x8192xf32>
    %slice3A_199 = vector.extract_strided_slice %get3A_1 {offsets = [0, 15], sizes = [32, 8177], strides = [1, 1]} : vector<32x8192xf32> to vector<32x8177xf32>
    %broadcast_in_dim3A_200 = arith.constant 0.000000e+00 : f32
    %broadcast_in_dim3A_201 = vector.broadcast %broadcast_in_dim3A_200 : f32 to vector<32x15xf32>
    %concatenate3A_202 = tpu.concatenate %slice3A_199, %broadcast_in_dim3A_201 in 1 : vector<32x8177xf32>, vector<32x15xf32> -> vector<32x8192xf32>
    %add3A_203 = arith.constant -1 : i32
    %add3A_204 = vector.broadcast %add3A_203 : i32 to vector<1x8192xi32>
    %add3A_205 = arith.addi %select_n3A_15, %add3A_204 : vector<1x8192xi32>
    %ge3A_206 = arith.constant 0 : i32
    %ge3A_207 = vector.broadcast %ge3A_206 : i32 to vector<1x8192xi32>
    %ge3A_208 = arith.cmpi sge, %add3A_205, %ge3A_207 : vector<1x8192xi32>
    %add3A_209 = arith.constant -1 : i32
    %add3A_210 = vector.broadcast %add3A_209 : i32 to vector<1x8192xi32>
    %add3A_211 = arith.addi %select_n3A_15, %add3A_210 : vector<1x8192xi32>
    %le3A_212 = arith.constant 15 : i32
    %le3A_213 = vector.broadcast %le3A_212 : i32 to vector<1x8192xi32>
    %le3A_214 = arith.cmpi sle, %add3A_211, %le3A_213 : vector<1x8192xi32>
    %and3A_215 = arith.andi %ge3A_208, %le3A_214 : vector<1x8192xi1>
    %add3A_216 = arith.constant 1 : i32
    %add3A_217 = vector.broadcast %add3A_216 : i32 to vector<1x8192xi32>
    %add3A_218 = arith.addi %select_n3A_65, %add3A_217 : vector<1x8192xi32>
    %ge3A_219 = arith.constant 0 : i32
    %ge3A_220 = vector.broadcast %ge3A_219 : i32 to vector<1x8192xi32>
    %ge3A_221 = arith.cmpi sge, %add3A_218, %ge3A_220 : vector<1x8192xi32>
    %add3A_222 = arith.constant 1 : i32
    %add3A_223 = vector.broadcast %add3A_222 : i32 to vector<1x8192xi32>
    %add3A_224 = arith.addi %select_n3A_65, %add3A_223 : vector<1x8192xi32>
    %le3A_225 = arith.constant 15 : i32
    %le3A_226 = vector.broadcast %le3A_225 : i32 to vector<1x8192xi32>
    %le3A_227 = arith.cmpi sle, %add3A_224, %le3A_226 : vector<1x8192xi32>
    %and3A_228 = arith.andi %ge3A_221, %le3A_227 : vector<1x8192xi1>
    %and3A_229 = arith.andi %and3A_215, %and3A_228 : vector<1x8192xi1>
    %jit3A_230 = arith.constant 0.000000e+00 : f32
    %broadcast_in_dim3A_231 = vector.shape_cast %and3A_229 : vector<1x8192xi1> to vector<1x8192xi1>
    %broadcast_in_dim3A_232 = vector.broadcast %broadcast_in_dim3A_231 : vector<1x8192xi1> to vector<32x8192xi1>
    %broadcast_in_dim3A_233 = vector.broadcast %jit3A_230 : f32 to vector<32x8192xf32>
    %select_n3A_234 = arith.select %broadcast_in_dim3A_232, %concatenate3A_202, %broadcast_in_dim3A_233 : vector<32x8192xi1>, vector<32x8192xf32>
    %slice3A_235 = vector.extract_strided_slice %get3A_1 {offsets = [0, 16], sizes = [32, 8176], strides = [1, 1]} : vector<32x8192xf32> to vector<32x8176xf32>
    %broadcast_in_dim3A_236 = arith.constant 0.000000e+00 : f32
    %broadcast_in_dim3A_237 = vector.broadcast %broadcast_in_dim3A_236 : f32 to vector<32x16xf32>
    %concatenate3A_238 = tpu.concatenate %slice3A_235, %broadcast_in_dim3A_237 in 1 : vector<32x8176xf32>, vector<32x16xf32> -> vector<32x8192xf32>
    %add3A_239 = arith.constant 1 : i32
    %add3A_240 = vector.broadcast %add3A_239 : i32 to vector<1x8192xi32>
    %add3A_241 = arith.addi %select_n3A_65, %add3A_240 : vector<1x8192xi32>
    %ge3A_242 = arith.constant 0 : i32
    %ge3A_243 = vector.broadcast %ge3A_242 : i32 to vector<1x8192xi32>
    %ge3A_244 = arith.cmpi sge, %add3A_241, %ge3A_243 : vector<1x8192xi32>
    %add3A_245 = arith.constant 1 : i32
    %add3A_246 = vector.broadcast %add3A_245 : i32 to vector<1x8192xi32>
    %add3A_247 = arith.addi %select_n3A_65, %add3A_246 : vector<1x8192xi32>
    %le3A_248 = arith.constant 15 : i32
    %le3A_249 = vector.broadcast %le3A_248 : i32 to vector<1x8192xi32>
    %le3A_250 = arith.cmpi sle, %add3A_247, %le3A_249 : vector<1x8192xi32>
    %and3A_251 = arith.andi %ge3A_244, %le3A_250 : vector<1x8192xi1>
    %jit3A_252 = arith.constant 0.000000e+00 : f32
    %broadcast_in_dim3A_253 = vector.shape_cast %and3A_251 : vector<1x8192xi1> to vector<1x8192xi1>
    %broadcast_in_dim3A_254 = vector.broadcast %broadcast_in_dim3A_253 : vector<1x8192xi1> to vector<32x8192xi1>
    %broadcast_in_dim3A_255 = vector.broadcast %jit3A_252 : f32 to vector<32x8192xf32>
    %select_n3A_256 = arith.select %broadcast_in_dim3A_254, %concatenate3A_238, %broadcast_in_dim3A_255 : vector<32x8192xi1>, vector<32x8192xf32>
    %slice3A_257 = vector.extract_strided_slice %get3A_1 {offsets = [0, 17], sizes = [32, 8175], strides = [1, 1]} : vector<32x8192xf32> to vector<32x8175xf32>
    %broadcast_in_dim3A_258 = arith.constant 0.000000e+00 : f32
    %broadcast_in_dim3A_259 = vector.broadcast %broadcast_in_dim3A_258 : f32 to vector<32x17xf32>
    %concatenate3A_260 = tpu.concatenate %slice3A_257, %broadcast_in_dim3A_259 in 1 : vector<32x8175xf32>, vector<32x17xf32> -> vector<32x8192xf32>
    %add3A_261 = arith.constant 1 : i32
    %add3A_262 = vector.broadcast %add3A_261 : i32 to vector<1x8192xi32>
    %add3A_263 = arith.addi %select_n3A_15, %add3A_262 : vector<1x8192xi32>
    %ge3A_264 = arith.constant 0 : i32
    %ge3A_265 = vector.broadcast %ge3A_264 : i32 to vector<1x8192xi32>
    %ge3A_266 = arith.cmpi sge, %add3A_263, %ge3A_265 : vector<1x8192xi32>
    %add3A_267 = arith.constant 1 : i32
    %add3A_268 = vector.broadcast %add3A_267 : i32 to vector<1x8192xi32>
    %add3A_269 = arith.addi %select_n3A_15, %add3A_268 : vector<1x8192xi32>
    %le3A_270 = arith.constant 15 : i32
    %le3A_271 = vector.broadcast %le3A_270 : i32 to vector<1x8192xi32>
    %le3A_272 = arith.cmpi sle, %add3A_269, %le3A_271 : vector<1x8192xi32>
    %and3A_273 = arith.andi %ge3A_266, %le3A_272 : vector<1x8192xi1>
    %add3A_274 = arith.constant 1 : i32
    %add3A_275 = vector.broadcast %add3A_274 : i32 to vector<1x8192xi32>
    %add3A_276 = arith.addi %select_n3A_65, %add3A_275 : vector<1x8192xi32>
    %ge3A_277 = arith.constant 0 : i32
    %ge3A_278 = vector.broadcast %ge3A_277 : i32 to vector<1x8192xi32>
    %ge3A_279 = arith.cmpi sge, %add3A_276, %ge3A_278 : vector<1x8192xi32>
    %add3A_280 = arith.constant 1 : i32
    %add3A_281 = vector.broadcast %add3A_280 : i32 to vector<1x8192xi32>
    %add3A_282 = arith.addi %select_n3A_65, %add3A_281 : vector<1x8192xi32>
    %le3A_283 = arith.constant 15 : i32
    %le3A_284 = vector.broadcast %le3A_283 : i32 to vector<1x8192xi32>
    %le3A_285 = arith.cmpi sle, %add3A_282, %le3A_284 : vector<1x8192xi32>
    %and3A_286 = arith.andi %ge3A_279, %le3A_285 : vector<1x8192xi1>
    %and3A_287 = arith.andi %and3A_273, %and3A_286 : vector<1x8192xi1>
    %jit3A_288 = arith.constant 0.000000e+00 : f32
    %broadcast_in_dim3A_289 = vector.shape_cast %and3A_287 : vector<1x8192xi1> to vector<1x8192xi1>
    %broadcast_in_dim3A_290 = vector.broadcast %broadcast_in_dim3A_289 : vector<1x8192xi1> to vector<32x8192xi1>
    %broadcast_in_dim3A_291 = vector.broadcast %jit3A_288 : f32 to vector<32x8192xf32>
    %select_n3A_292 = arith.select %broadcast_in_dim3A_290, %concatenate3A_260, %broadcast_in_dim3A_291 : vector<32x8192xi1>, vector<32x8192xf32>
    %concatenate3A_293 = tpu.concatenate %select_n3A_96, %select_n3A_118, %select_n3A_154, %select_n3A_176, %get3A_1, %select_n3A_198, %select_n3A_234, %select_n3A_256, %select_n3A_292 in 0 : vector<32x8192xf32>, vector<32x8192xf32>, vector<32x8192xf32>, vector<32x8192xf32>, vector<32x8192xf32>, vector<32x8192xf32>, vector<32x8192xf32>, vector<32x8192xf32>, vector<32x8192xf32> -> vector<288x8192xf32>
    %get3A_294 = arith.constant 0 : index
    %get3A_295 = arith.constant 0 : index
    %get3A_296 = vector.load %arg2[%get3A_294, %get3A_295] : memref<32x288xf32, #tpu.memory_space<vmem>>, vector<32x288xf32>
    %dot_general3A = arith.constant dense<0.000000e+00> : vector<32x8192xf32>
    %dot_general3A_297 = tpu.matmul %get3A_296, %concatenate3A_293, %dot_general3A {dimension_numbers = #tpu.dot_dimension_numbers<[1], [0], [0], [1], [0, 0, 1, 1], [], []>, transpose_lhs_hint = false} : vector<32x288xf32>, vector<288x8192xf32>, vector<32x8192xf32> -> vector<32x8192xf32>
    %get3A_298 = arith.constant 0 : index
    %get3A_299 = arith.constant 0 : index
    %get3A_300 = vector.load %arg3[%get3A_298, %get3A_299] : memref<32x1xf32, #tpu.memory_space<vmem>>, vector<32x1xf32>
    %add3A_301 = vector.broadcast %get3A_300 : vector<32x1xf32> to vector<32x8192xf32>
    %add3A_302 = arith.addf %dot_general3A_297, %add3A_301 : vector<32x8192xf32>
    %swap3A = arith.constant 0 : index
    %swap3A_303 = arith.constant 0 : index
    %swap3A_304 = vector.load %arg4[%swap3A, %swap3A_303] : memref<32x8192xf32, #tpu.memory_space<vmem>>, vector<32x8192xf32>
    tpu.vector_store %arg4[%swap3A, %swap3A_303], %add3A_302 {strides = array<i32>} : memref<32x8192xf32, #tpu.memory_space<vmem>>, vector<32x8192xf32>,
    return
  }
  func.func @transform_0(%arg0: i32) -> (i32, i32) {
    %c0_i32 = arith.constant 0 : i32
    %c0_i32_0 = arith.constant 0 : i32
    %c0_i32_1 = arith.constant 0 : i32
    return %c0_i32, %c0_i32_0 : i32, i32
  }
  func.func @transform_1(%arg0: i32) -> (i32, i32) {
    %c0_i32 = arith.constant 0 : i32
    %c0_i32_0 = arith.constant 0 : i32
    %c0_i32_1 = arith.constant 0 : i32
    return %c0_i32, %c0_i32_0 : i32, i32
  }
  func.func @transform_2(%arg0: i32) -> (i32, i32) {
    %c0_i32 = arith.constant 0 : i32
    %c0_i32_0 = arith.constant 0 : i32
    %c0_i32_1 = arith.constant 0 : i32
    return %c0_i32, %c0_i32_0 : i32, i32
  }
  func.func @transform_3(%arg0: i32) -> (i32, i32) {
    %c0_i32 = arith.constant 0 : i32
    %c0_i32_0 = arith.constant 0 : i32
    %c0_i32_1 = arith.constant 0 : i32
    return %c0_i32, %c0_i32_0 : i32, i32
  }
}

</mosaic_0001>

<sc_bundles>
// kernel: gather_offload_async_start
scs
__scs_entry_jumppad:
0x0: {  	(pc) =	sbr.rel $0x88, $3  }
0x1: {  	(tag) =	ssettag $0x0;
	lr =	simm.s32 $0x1  }
0x2: {  	[smem:$0x3F9D] =	sst lr;
	_ =	strace $0xD0000000  }
0x3: {  	_ = 	snop  }
0x4: {  	_ = 	snop  }
0x5: {  	_ = 	snop  }
0x6: {  	_ = 	snop  }
0x7: {  	_ = 	snop  }
__scs_overlays_trampoline_lowered:
0x8: {  	[smem:$0x3FAC] =	sst s0  }
0x9: {  	[smem:$0x3FAD] =	sst s1  }
0xa: {  	[smem:$0x3FAE] =	sst s2  }
0xb: {  	[smem:$0x3FAF] =	sst s3  }
0xc: {  	[smem:$0x3FB0] =	sst s4  }
0xd: {  	[smem:$0x3FB1] =	sst s5  }
0xe: {  	[smem:$0x3FB2] =	sst s6  }
0xf: {  	[smem:$0x3FB3] =	sst s7  }
0x10: {  	[smem:$0x3FB4] =	sst s8  }
0x11: {  	[smem:$0x3FB5] =	sst s9;
	s0 =	simm.s32 @!p0 $0x0  }
0x12: {  	s1 =	sld [smem:$0x3F9B];
	s0 =	simm.s32 @p0 $0x1  }
0x13: {  	[smem:$0x3FB6] =	sst s0;
	s0 =	simm.s32 @!p1 $0x0  }
0x14: {  	s2 =	sld [smem:$0x3F9A];
	s0 =	simm.s32 @p1 $0x1  }
0x15: {  	[smem:$0x3FB7] =	sst s0;
	s0 =	simm.s32 @!p2 $0x0  }
0x16: {  	s3 =	sld [smem:$0x3FDB];
	s0 =	simm.s32 @p2 $0x1  }
0x17: {  	s4 =	simm.s32 $0x1BF5;
	[smem:$0x3FB9] =	sst s0  }
0x18: {  	s0 =	sld [smem:$0x3F9C];
	_ =	swait.ge [sflag:s4], $0x0  }
0x19: {  	s7 =	sld [smem:$0x3F9D]  }
0x1a: {  	s8 =	sadd.s32 $0xFFFFE003, lr  }
0x1b: {  	s9 =	sadd.s32 $0xFFFFFEF7, lr;
	s5 =	simm.s32 $0xFFFFFFFF;
	p2 =	slt.u32 s8, $0xFFFFF086  }
0x1c: {  	p1 =	slt.u32 s9, $0xF7A;
	s5 =	simm.s32 @!p2 $0x0  }
0x1d: {  	s5 =	simm.s32 @p1 $0x1;
	p0 =	seq.s32 s7, s2  }
0x1e: {  	s7 =	smul.u32 @!p0 $0xF7A, s2;
	p2 =	seq.s32 @!p0 s5, $0x0  }
0x1f: {  	s9 =	smul.u32 $0xF7A, s1;
	s8 =	simm.s32 @!p0 $0x1BF5;
	p2 =	por !p2, p0  }
0x20: {  	[sflag:s8] =	ssyncset.s32 @!p0 $0xFFFFF086;
	s6 =	sadd.s32 @!p0 s3, s7;
	s7 =	simm.s32 @!p0 $0x108  }
0x21: {  	s3 =	sadd.s32 s3, s9;
	s6 =	sadd.s32 @!p0 $0x88, s6;
	s7 =	simm.s32 @p2 $0x1082  }
0x22: {  	[simem:s7], [sflag:s8] =	dma.local @!p0 [hbm:s6], $0xF7A  }
0x23: {  	s9 =	sor.u32 $0xD0000000, s2;
	s6 =	simm.s32 $0x108;
	_ =	swait.ge @!p0 [sflag:s8], $0x0  }
0x24: {  	s3 =	sadd.s32 $0x88, s3;
	s6 =	simm.s32 @!p1 $0x1082;
	[sflag:s4] =	ssyncset.s32 $0xFFFFF086  }
0x25: {  	[simem:s6], [sflag:s4] =	dma.local [hbm:s3], $0xF7A  }
0x26: {  	[smem:$0x3F9D] =	sst s1;
	(tag) =	ssettag s2;
	_ =	strace s9  }
0x27: {  	s1 =	sld [smem:$0x3FAD]  }
0x28: {  	s2 =	sld [smem:$0x3FAE]  }
0x29: {  	s4 =	sld [smem:$0x3FB0]  }
0x2a: {  	p0 =	seq.s32 s5, $0x0;
	s5 =	sld [smem:$0x3FB1]  }
0x2b: {  	s6 =	sld [smem:$0x3FB2]  }
0x2c: {  	s7 =	sld [smem:$0x3FB3]  }
0x2d: {  	s3 =	simm.s32 $0x108;
	s8 =	sld [smem:$0x3FB4]  }
0x2e: {  	s3 =	simm.s32 @!p0 $0x1082;
	s9 =	sld [smem:$0x3FB5]  }
0x2f: {  	lr =	sadd.s32 s0, s3;
	s0 =	sld [smem:$0x3FAC]  }
0x30: {  	s3 =	sld [smem:$0x3FAF]  }
0x31: {  	[smem:$0x3FB8] =	sst s10  }
0x32: {  	s10 =	sld [smem:$0x3FB6];
	_ =	sdelay $0x3  }
0x33: {  	p0 =	seq.s32 s10, $0x1;
	s10 =	sld [smem:$0x3FB8];
	_ =	sdelay $0x3  }
0x34: {  	[smem:$0x3FB8] =	sst s10  }
0x35: {  	s10 =	sld [smem:$0x3FB7];
	_ =	sdelay $0x3  }
0x36: {  	p1 =	seq.s32 s10, $0x1;
	s10 =	sld [smem:$0x3FB8];
	_ =	sdelay $0x3  }
0x37: {  	[smem:$0x3FB8] =	sst s10  }
0x38: {  	s10 =	sld [smem:$0x3FB9]  }
0x39: {  	_ = 	snop;
	(pc) =	sbr.ind lr, $3  }
0x3a: {  	_ = 	snop  }
0x3b: {  	_ = 	snop  }
0x3c: {  	p2 =	seq.s32 s10, $0x1;
	s10 =	sld [smem:$0x3FB8]  }
0x3d: {  	_ =	shalt  }
0x3e: {  	_ =	shalt  }
0x3f: {  	_ =	shalt  }
0x40: {  	_ =	shalt  }
0x41: {  	_ =	shalt  }
0x42: {  	_ =	shalt  }
0x43: {  	_ =	shalt  }
0x44: {  	_ =	shalt  }
0x45: {  	_ =	shalt  }
0x46: {  	_ =	shalt  }
0x47: {  	_ =	shalt  }
0x48: {  	_ =	shalt  }
0x49: {  	_ =	shalt  }
0x4a: {  	_ =	shalt  }
0x4b: {  	_ =	shalt  }
0x4c: {  	_ =	shalt  }
0x4d: {  	_ =	shalt  }
0x4e: {  	_ =	shalt  }
0x4f: {  	_ =	shalt  }
0x50: {  	_ =	shalt  }
0x51: {  	_ =	shalt  }
0x52: {  	_ =	shalt  }
0x53: {  	_ =	shalt  }
0x54: {  	_ =	shalt  }
0x55: {  	_ =	shalt  }
0x56: {  	_ =	shalt  }
0x57: {  	_ =	shalt  }
0x58: {  	_ =	shalt  }
0x59: {  	_ =	shalt  }
0x5a: {  	_ =	shalt  }
0x5b: {  	_ =	shalt  }
0x5c: {  	_ =	shalt  }
0x5d: {  	_ =	shalt  }
0x5e: {  	_ =	shalt  }
0x5f: {  	_ =	shalt  }
0x60: {  	_ =	shalt  }
0x61: {  	_ =	shalt  }
0x62: {  	_ =	shalt  }
0x63: {  	_ =	shalt  }
0x64: {  	_ =	shalt  }
0x65: {  	_ =	shalt  }
0x66: {  	_ =	shalt  }
0x67: {  	_ =	shalt  }
0x68: {  	_ =	shalt  }
0x69: {  	_ =	shalt  }
0x6a: {  	_ =	shalt  }
0x6b: {  	_ =	shalt  }
0x6c: {  	_ =	shalt  }
0x6d: {  	_ =	shalt  }
0x6e: {  	_ =	shalt  }
0x6f: {  	_ =	shalt  }
0x70: {  	_ =	shalt  }
0x71: {  	_ =	shalt  }
0x72: {  	_ =	shalt  }
0x73: {  	_ =	shalt  }
0x74: {  	_ =	shalt  }
0x75: {  	_ =	shalt  }
0x76: {  	_ =	shalt  }
0x77: {  	_ =	shalt  }
0x78: {  	_ =	shalt  }
0x79: {  	_ =	shalt  }
0x7a: {  	_ =	shalt  }
0x7b: {  	_ =	shalt  }
0x7c: {  	_ =	shalt  }
0x7d: {  	_ =	shalt  }
0x7e: {  	_ =	shalt  }
0x7f: {  	_ =	shalt  }
0x80: {  	_ =	shalt  }
0x81: {  	_ =	shalt  }
0x82: {  	_ =	shalt  }
0x83: {  	_ =	shalt  }
0x84: {  	_ =	shalt  }
0x85: {  	_ =	shalt  }
0x86: {  	_ =	shalt  }
0x87: {  	_ =	shalt  }
.Lfunc_end0:
.L_simem_size_0:
called_computation_lowered:
.L_overlay_start_0:
0x88: {  	s2 =	sld [smem:$0x3FD9]  }
0x89: {  	s3 =	sld [smem:$0x3FFE];
	_ =	sdelay $0x1  }
0x8a: {  	s1 =	srdreg.scid  }
0x8b: {  	s0 =	sand.u32 $0x1, s1  }
0x8c: {  	s14 =	sshll.u32 s0, $0xA;
	s2 =	sadd.s32 s3, s2  }
0x8d: {  	s2 =	sadd.s32 s2, s14  }
0x8e: {  	[smem:$0x3FC4] =	sst s2  }
0x8f: {  	_ = 	snop  }
0x90: {  	s2 =	sld [smem:$0x3FD0];
	_ =	sdelay $0x2  }
0x91: {  	s15 =	simm.s32 $0xA;
	s4 =	simm.s32 $0x10  }
0x92: {  	[smem:s4], [sflag:s15] =	dma.local [hbm:s2], $0x1  }
0x93: {  	_ =	swait.eq [sflag:s15], $0x1  }
0x94: {  	[sflag:s15] =	ssyncset.done $0x0  }
0x95: {  	[sflag:s15] =	ssyncadd.s32 $0xFFFFFFFF  }
0x96: {  	s16 =	sld [smem:$0x10];
	(tm) =	ssettm $0x1  }
0x97: {  	s17 =	sld [smem:$0x3FFB];
	_ =	sdelay $0x3  }
0x98: {  	_ =	strace s17  }
0x99: {  	s3 =	sld [smem:$0x3FFC];
	_ =	sdelay $0x3  }
0x9a: {  	_ =	strace s3  }
0x9b: {  	s3 =	sld [smem:$0x3FFD];
	_ =	sdelay $0x3  }
0x9c: {  	_ =	strace s3  }
0x9d: {  	_ =	strace $0x8FFFFFFF  }
0x9e: {  	s18 =	sld [smem:$0x3FDB];
	_ =	sdelay $0x1  }
0x9f: {  	s19 =	simm.s32 $_scs_section_size  }
0xa0: {  	s5 =	simm.s32 $_size__tile_overlayer_lowered;
	s6 =	simm.s32 $_tile_overlayer_lowered  }
0xa1: {  	s22 =	simm.s32 $0x1BFF;
	s21 =	sshll.u32 s6, $0x1;
	s3 =	sadd.s32 s19, s18  }
0xa2: {  	s7 =	simm.s32 $0x0;
	s20 =	sshll.u32 s5, $0x1;
	s5 =	sadd.s32 s21, s3  }
0xa3: {  	[timem:s7], [sflag:s22] =	dma.local [hbm:s5], s20  }
0xa4: {  	_ =	swait.ge [sflag:s22], s20  }
0xa5: {  	s4 =	ssub.s32 $0x0, s20;
	[sflag:s22] =	ssyncset.done $0x0  }
0xa6: {  	[sflag:s22] =	ssyncadd.s32 s4;
	_ =	sdelay $0x1  }
0xa7: {  	s23 =	simm.s32 $0x1B8B  }
0xa8: {  	_ =	swait.ge [sflag:s23], $0x1  }
0xa9: {  	[sflag:s23] =	ssyncset.done $0x0  }
0xaa: {  	s25 =	simm.s32 $0x1B8E;
	s24 =	sld [smem:$0x3FFE];
	[sflag:s23] =	ssyncadd.s32 $0xFFFFFFFF  }
0xab: {  	s26 =	simm.s32 $execute0_lowered;
	[smem:$0x3FD2] =	sst s25  }
0xac: {  	s5 =	sshll.u32 s26, $0x1;
	_ =	strace $0x80000046;
	[dreg:$0x1] =	wrdreg $0xFFFFFFFF  }
0xad: {  	s28 =	simm.s32 $_size_execute0_lowered;
	s3 =	sadd.s32 s3, s5;
	[dreg:$0x0] =	wrdreg $0x0  }
0xae: {  	s5 =	sshll.u32 s28, $0x1;
	[dreg:$0x2] =	wrdreg s3  }
0xaf: {  	[dreg:$0x3] =	wrdreg s5  }
0xb0: {  	[dreg:$0x4] =	wrdreg $0xC0  }
0xb1: {  	_ =	task [dreg:s7], $0x5FFFF  }
0xb2: {  	[dreg:$0x1] =	wrdreg $0xFFFFFFFF  }
0xb3: {  	[dreg:$0x0] =	wrdreg $0x60  }
0xb4: {  	[dreg:$0x2] =	wrdreg s16  }
0xb5: {  	[dreg:$0x3] =	wrdreg s24  }
0xb6: {  	[dreg:$0x4] =	wrdreg $0x9  }
0xb7: {  	_ =	task.clear_ibuf [dreg:s7], $0x5FFFF;
	_ =	strace $0x90000046  }
0xb8: {  	s29 =	simm.s32 $0x9;
	_ =	strace $0x80000048  }
0xb9: {  	_ =	swait.ge [sflag:s29], $0x1  }
0xba: {  	[sflag:s29] =	ssyncadd.s32 $0xFFFFFFFF  }
0xbb: {  	_ =	strace $0x90000048  }
0xbc: {  	_ =	sfence  }
0xbd: {  	s30 =	sld [smem:$0x0];
	_ =	sdelay $0x2  }
0xbe: {  	s31 =	sshll.u32 s1, $0xD;
	s1 =	sshrl.u32 s1, $0x2  }
0xbf: {  	s3 =	sand.u32 $0x4000, s31;
	s1 =	sadd.s32 s1, s30  }
0xc0: {  	s0 =	sor.u32 s3, s0;
	s1 =	sshll.u32 s1, $0x11  }
0xc1: {  	s0 =	sor.u32 s1, s0  }
0xc2: {  	s0 =	sadd.s32 $0x8F2B, s0  }
0xc3: {  	[sflag:s0] =	ssyncadd.remote.s32 $0x1  }
0xc4: {  	_ =	sfence.sel $0xFFFF  }
0xc5: {  	[dreg:$0x0] =	wrdreg $0xFFFFFFFF;
	(pc) =	sbr.abs _section_cstart, $3  }
0xc6: {  	[dreg:$0x1] =	wrdreg $0xFFFFFFFF  }
0xc7: {  	_ =	task.clear_ibuf [dreg:s7], $0x2FFFF;
	_ =	strace $0x9FFFFFFF  }
0xc8: {  	(tm) =	ssettm $0x7FFFFFFF  }
0xc9: {  	_ =	shalt  }
tec
execute0_lowered:
.L_overlay_start_1:
0x0: {  	(tag) =	ssettag $0x1  }
0x1: {  	s2 =	rddreg [dreg:$0x0]  }
0x2: {  	s7 =	rddreg [dreg:$0x1]  }
0x3: {  	s0 =	rddreg [dreg:$0x2]  }
0x4: {  	s1 =	srdreg.scid;
	_ =	strace $0x80000047;
	s4 =	simm.s32 $0x1  }
0x5: {  	s9 =	simm.s32 $0x3;
	s12 =	simm.s32 $0x0;
	s5 =	sshll.u32 s1, $0x4  }
.Ltmp0:
0x6: {  	s1 =	stileid.u32;
	s5 =	sand.u32 $0x10, s5;
	(pc) =	sbr.rel .LBB2_1-.Ltmp0, $4  }
0x7: {  	s10 =	simm.s32 $0x0;
	s3 =	sadd.s32 $0x60800, s7;
	s6 =	sor.u32 s1, s5  }
0x8: {  	[sflag:s4] =	ssyncpa.u1 $0x0;
	s5 =	simm.s32 $0x2;
	s6 =	sshll.u32 s6, $0x6  }
0x9: {  	s7 =	sadd.s32 $0x60A00, s7;
	[sflag:s5] =	ssyncpa.u1 $0x0;
	s8 =	sadd.s32 $0x40, s6  }
0xa: {  	vm0 =	vmmov $0xff;
	vm1 =	vcmask $0x3F20;
	[sflag:s9] =	ssyncpa.u1 $0x0;
	s9 =	simm.s32 $0x40;
	s11 =	smov.u32 s6  }
.LBB2_9:
0xb: {  	p0 =	seq.s32 s10, $0x2  }
.Ltmp1:
0xc: {  	_ = 	snop;
	(pc) =	sbr.rel @p0 .LBB2_11-.Ltmp1, $1  }
0xd: {  	_ =	sdelay $0x3  }
.LBB2_10:
0xe: {  	s12 =	sadd.s32 $0x40, s11  }
0xf: {  	s13 =	smov.u32 s6;
	p0 =	slt.s32 s12, s8  }
0x10: {  	s13 =	smov.u32 @p0 s12  }
0x11: {  	s10 =	sadd.s32 $0x1, s10;
	s12 =	smov.u32 s11;
	s11 =	smov.u32 s13  }
.LBB2_1:
0x12: {  	p0 =	sne.s32 s10, $0x0  }
.Ltmp2:
0x13: {  	_ = 	snop;
	(pc) =	sbr.rel @!p0 .LBB2_2-.Ltmp2, $1  }
0x14: {  	_ =	sdelay $0x3  }
0x15: {  	s13 =	sand.u32 $0x1, s10  }
0x16: {  	p0 =	seq.s32 s13, $0x0  }
.Ltmp3:
0x17: {  	_ = 	snop;
	(pc) =	sbr.rel @p0 .LBB2_9-.Ltmp3, $1  }
0x18: {  	_ =	sdelay $0x3  }
0x19: {  	_ =	swait.ge [sflag:s5], $0x40  }
0x1a: {  	[sflag:s5] =	ssyncset.done $0x0  }
0x1b: {  	s13 =	simm.s32 $0x0;
	[sflag:s5] =	ssyncadd.s32 $0xFFFFFFC0  }
0x1c: {  	v0 =	vld.msk [tilespmem:s13+$0x40 ss:$0x1], $0xffff;
	_ =	sdelay $0x4  }
0x1d: {  	vm2 =	vgt.s32 v0, $0x0  }
0x1e: {  	v0 =	vnsel vm2, $0x0, v0  }
0x1f: {  	v0 =	vmin.u32 v0, $0xFFF  }
0x20: {  	v0 =	vshll.u32 v0, $0x4;
	_ =	sdelay $0x3  }
0x21: {  	s13 =	simm.s32 $0x2080  }
0x22: {  	[tilespmem:s13], [sflag:$0x1] =	stream.indirect_vreg.gather [hbm:s2], $0x80, v0, vm0, $0x38;
	[tilespmem:$0x4080] =	vst v63  }
0x23: {  	s14 =	simm.s32 $0x2480;
	s31 =	simm.s32 $0x10  }
0x24: {  	[tilespmem:s14], [sflag:$0x1] =	stream.indirect_vreg.gather [hbm:s2], $0x80, v0, vm1, $0x38;
	[tilespmem:$0x4080] =	vst v63  }
0x25: {  	s14 =	simm.s32 $0x80;
	v0 =	vld.msk [tilespmem:s31+$0x40 ss:$0x1], $0xffff  }
.LBB2_5:
0x26: {  	p0 =	sne.s32 s14, $0xC0;
	_ =	sdelay $0x4  }
0x27: {  	vm2 =	vgt.s32 v0, $0x0  }
0x28: {  	v0 =	vnsel vm2, $0x0, v0  }
0x29: {  	v0 =	vmin.u32 v0, $0xFFF  }
0x2a: {  	v0 =	vshll.u32 v0, $0x4;
	_ =	sdelay $0x3  }
.Ltmp4:
0x2b: {  	s13 =	sadd.s32 $0x800, s13;
	(pc) =	sbr.rel @p0 .LBB2_5-.Ltmp4, $4  }
0x2c: {  	[tilespmem:s13], [sflag:$0x1] =	stream.indirect_vreg.gather [hbm:s2], $0x80, v0, vm0, $0x38;
	[tilespmem:$0x4080] =	vst v63  }
0x2d: {  	s15 =	sshra.s32 s14, $0x2;
	s16 =	sadd.s32 $0x400, s13  }
0x2e: {  	[tilespmem:s16], [sflag:$0x1] =	stream.indirect_vreg.gather [hbm:s2], $0x80, v0, vm1, $0x38;
	[tilespmem:$0x4080] =	vst v63  }
0x2f: {  	s14 =	sadd.s32 $0x40, s14;
	v0 =	vld.msk [tilespmem:s15+$0x40 ss:$0x1], $0xffff  }
0x30: {  	_ =	sdelay $0x3  }
0x31: {  	vm2 =	vgt.s32 v0, $0x0  }
0x32: {  	v0 =	vnsel vm2, $0x0, v0  }
0x33: {  	v0 =	vmin.u32 v0, $0xFFF  }
0x34: {  	v0 =	vshll.u32 v0, $0x4;
	_ =	sdelay $0x3  }
0x35: {  	s13 =	sadd.s32 $0x800, s13  }
0x36: {  	[tilespmem:s13], [sflag:$0x1] =	stream.indirect_vreg.gather [hbm:s2], $0x80, v0, vm0, $0x38;
	[tilespmem:$0x4080] =	vst v63  }
0x37: {  	s13 =	sadd.s32 $0x400, s13  }
0x38: {  	[tilespmem:s13], [sflag:$0x1] =	stream.indirect_vreg.gather [hbm:s2], $0x80, v0, vm1, $0x38;
	[tilespmem:$0x4080] =	vst v63  }
0x39: {  	s12 =	sshll.u32 s12, $0x4;
	s14 =	simm.s32 $0x80;
	_ =	swait.ge [sflag:s4], $0x2000  }
0x3a: {  	s15 =	simm.s32 $0x2480;
	s12 =	sadd.s32 s12, s7;
	[sflag:s4] =	ssyncset.done $0x0  }
0x3b: {  	s16 =	sadd.s32 $0x0, s12;
	s13 =	simm.s32 $0x2080;
	[sflag:s4] =	ssyncadd.s32 $0xFFFFE000  }
.LBB2_7:
0x3c: {  	[hbm:s16] =	stream.linear.scatter [tilespmem:s13], [sflag:$0x3], $0x400, $0x38;
	[tilespmem:$0x4080] =	vst v63  }
0x3d: {  	s16 =	smov.u32 s14;
	s13 =	smov.u32 s15;
	p0 =	sne.s32 s14, $0x380  }
.Ltmp5:
0x3e: {  	s14 =	sadd.s32 $0x80, s14;
	(pc) =	sbr.rel @p0 .LBB2_7-.Ltmp5, $2  }
0x3f: {  	_ =	sdelay $0x2  }
0x40: {  	s15 =	sadd.s32 $0x400, s15;
	s16 =	sadd.s32 s16, s12  }
.Ltmp6:
0x41: {  	(pc) =	sbr.rel .LBB2_9-.Ltmp6, $2  }
0x42: {  	_ =	sdelay $0x2  }
0x43: {  	[hbm:s16] =	stream.linear.scatter [tilespmem:s13], [sflag:$0x3], $0x400, $0x38;
	[tilespmem:$0x4080] =	vst v63  }
.LBB2_2:
.Ltmp7:
0x44: {  	(pc) =	sbr.rel .LBB2_10-.Ltmp7, $4  }
0x45: {  	_ = 	snop  }
0x46: {  	s12 =	sshrl.u32 s11, $0x3  }
0x47: {  	s13 =	sand.u32 $0x7, s11;
	s12 =	sadd.s32 s3, s12  }
0x48: {  	[tilespmem:s9], [sflag:$0x2] =	stream.linear.gather [hbm4b:s12+s13], $0x40, $0x38;
	[tilespmem:$0x4080] =	vst v63  }
.LBB2_11:
0x49: {  	s2 =	simm.s32 $0x3  }
0x4a: {  	_ =	swait.ge [sflag:s2], $0x2000  }
0x4b: {  	[sflag:s2] =	ssyncset.done $0x0  }
0x4c: {  	[sflag:s2] =	ssyncadd.s32 $0xFFFFE000  }
0x4d: {  	_ =	sfence.sel $0x180000  }
0x4e: {  	s3 =	simm.s32 $0x2;
	[bflag:$0x0] =	sbarrier.arrive $0xFFFF  }
0x4f: {  	[sflag:s3] =	ssyncpa.u1 $0x1  }
0x50: {  	s31 =	simm.s32 $0x1;
	[sflag:s2] =	ssyncpa.u1 $0x1  }
0x51: {  	[sflag:s31] =	ssyncpa.u1 $0x1  }
0x52: {  	p0 =	sne.s32 s1, $0x0;
	_ =	strace $0x90000047  }
0x53: {  	s0 =	sadd.s32 @!p0 $0x100000, s0;
	[bflag:$0x2] =	sbarrier.arrive $0xFFFF  }
0x54: {  	[sflag:s0] =	ssyncadd.tile.s32 @!p0 $0x1;
	_ =	shalt  }
.Lfunc_end2:
_tile_overlayer_lowered:
.L_overlay_start_2:
0x55: {  	(tag) =	ssettag $0x2  }
0x56: {  	s0 =	rddreg [dreg:$0x0];
	s2 =	stileid.u32  }
0x57: {  	s1 =	rddreg [dreg:$0x1];
	p0 =	sne.s32 s2, $0x0  }
0x58: {  	s3 =	rddreg [dreg:$0x2];
	[bflag:$0x3] =	sbarrier.arrive $0xFFFF;
	s2 =	simm.s32 @!p0 $0x1C01  }
0x59: {  	[timem:s3], [sflag:s2] =	dma.local @!p0 [hbm:s0], s1  }
0x5a: {  	s0 =	simm.s32 @!p0 $0x1  }
0x5b: {  	_ =	swait.ge @!p0 [sflag:s0], s1  }
0x5c: {  	s1 =	ssub.s32 @!p0 $0x0, s1;
	[sflag:s0] =	ssyncset.done @!p0 $0x0  }
0x5d: {  	[sflag:s0] =	ssyncadd.s32 @!p0 s1  }
0x5e: {  	[bflag:$0x3] =	sbarrier.arrive $0xFFFF  }
0x5f: {  	_ =	shalt  }

</sc_bundles>
